<compile_context>
chip_gen: v7x
topology: tpu7x:2x2x1
jax: 0.10.2.dev20260603
libtpu: 0.0.44.dev20260713+nightly
codegen_flags: <defaults>
</compile_context>

<pallas_src>
import functools

import jax
import jax.numpy as jnp
import numpy as np
from jax import lax
from jax.experimental import pallas as pl
from jax.experimental.pallas import tpu as pltpu
from jax.experimental.pallas import tpu_sc as plsc

_NC = 2
_NS = 16
_NW = _NC * _NS
_D = 512
_N = 512
_G = 32 * 3
_ROWS = _G * _N
_BPW = _ROWS // _NW
_C = 96
_NCH = _BPW // _C
_NP = _NCH // 2


def _gather_rows():
    mesh = plsc.VectorSubcoreMesh(core_axis_name="c", subcore_axis_name="s")

    @functools.partial(
        pl.kernel,
        mesh=mesh,
        out_type=jax.ShapeDtypeStruct((_ROWS, _D), jnp.float32),
        scratch_types=[
            pltpu.VMEM((_NCH, _C), jnp.int32),
            pltpu.VMEM((_C, _D), jnp.float32),
            pltpu.VMEM((_C, _D), jnp.float32),
            pltpu.SemaphoreType.DMA,
            pltpu.SemaphoreType.DMA,
            pltpu.SemaphoreType.DMA,
            pltpu.SemaphoreType.DMA,
        ],
    )
    def k(tbl_hbm, idx_hbm, out_hbm, idx_v, rows0, rows1, gs0, gs1, ss0, ss1):
        wid = lax.axis_index("s") * _NC + lax.axis_index("c")
        base = wid * _BPW
        _H = _C // 2
        pltpu.sync_copy(idx_hbm.at[wid], idx_v)
        pltpu.async_copy(tbl_hbm.at[idx_v.at[0]], rows0, gs0)
        pltpu.make_async_copy(tbl_hbm.at[idx_v.at[0]], rows0, gs0).wait()

        pltpu.async_copy(rows0.at[pl.ds(0, _H)], out_hbm.at[pl.ds(base, _H)], gs0)
        pltpu.async_copy(rows0.at[pl.ds(_H, _H)], out_hbm.at[pl.ds(base + _H, _H)], gs1)
        pltpu.async_copy(rows1.at[pl.ds(0, _H)], out_hbm.at[pl.ds(base + _C, _H)], ss0)
        pltpu.async_copy(rows1.at[pl.ds(_H, _H)], out_hbm.at[pl.ds(base + _C + _H, _H)], ss1)

        def body(p, carry):
            j0 = 2 * p
            j1 = j0 + 1
            pltpu.make_async_copy(
                rows0.at[pl.ds(0, _H)], out_hbm.at[pl.ds(base, _H)], gs0).wait()
            pltpu.make_async_copy(
                rows0.at[pl.ds(_H, _H)], out_hbm.at[pl.ds(base, _H)], gs1).wait()

            @pl.when(p < _NP - 1)
            def _():
                o = base + (j0 + 2) * _C
                pltpu.async_copy(rows0.at[pl.ds(0, _H)], out_hbm.at[pl.ds(o, _H)], gs0)
                pltpu.async_copy(rows0.at[pl.ds(_H, _H)], out_hbm.at[pl.ds(o + _H, _H)], gs1)

            pltpu.make_async_copy(
                rows1.at[pl.ds(0, _H)], out_hbm.at[pl.ds(base, _H)], ss0).wait()
            pltpu.make_async_copy(
                rows1.at[pl.ds(_H, _H)], out_hbm.at[pl.ds(base, _H)], ss1).wait()

            @pl.when(p < _NP - 1)
            def _():
                o = base + (j1 + 2) * _C
                pltpu.async_copy(rows1.at[pl.ds(0, _H)], out_hbm.at[pl.ds(o, _H)], ss0)
                pltpu.async_copy(rows1.at[pl.ds(_H, _H)], out_hbm.at[pl.ds(o + _H, _H)], ss1)
            return carry

        lax.fori_loop(0, _NP, body, 0)

    return k


_KERNEL = _gather_rows()

_PERM = np.asarray([121, 480, 35, 130, 263, 148, 197, 410, 398, 45, 176, 462, 446, 366, 257, 179, 139, 315, 501, 188, 312, 499, 318, 448, 304, 99, 309, 144, 152, 189, 487, 325, 31, 112, 495, 356, 493, 507, 268, 429, 409, 85, 63, 117, 417, 174, 441, 509, 481, 272, 114, 254, 82, 65, 7, 350, 4, 101, 463, 452, 444, 102, 78, 163, 157, 302, 183, 29, 240, 177, 278, 259, 108, 305, 83, 129, 367, 212, 277, 504, 300, 44, 211, 16, 58, 123, 37, 336, 111, 19, 61, 447, 2, 142, 34, 369, 339, 156, 436, 5, 461, 415, 90, 363, 175, 167, 284, 379, 251, 110, 72, 155, 178, 323, 291, 388, 269, 354, 368, 219, 510, 153, 30, 275, 42, 186, 342, 406, 468, 439, 307, 256, 419, 246, 3, 362, 380, 327, 393, 70, 378, 400, 271, 488, 311, 67, 273, 223, 422, 39, 56, 274, 192, 169, 349, 218, 195, 476, 173, 245, 241, 69, 383, 80, 22, 6, 321, 199, 345, 118, 235, 54, 442, 479, 423, 266, 77, 425, 147, 18, 340, 298, 249, 294, 375, 382, 10, 11, 234, 53, 236, 455, 94, 332, 511, 331, 437, 353, 489, 287, 32, 217, 283, 355, 407, 159, 440, 15, 470, 184, 49, 137, 50, 138, 20, 445, 237, 280, 253, 185, 460, 43, 389, 335, 258, 370, 344, 92, 8, 503, 324, 140, 233, 24, 81, 239, 314, 453, 96, 475, 467, 154, 135, 472, 490, 469, 500, 264, 160, 106, 128, 265, 426, 386, 191, 9, 200, 40, 187, 71, 346, 438, 333, 248, 164, 207, 93, 59, 201, 158, 210, 420, 402, 75, 508, 131, 411, 97, 66, 25, 196, 424, 364, 497, 242, 338, 206, 243, 397, 341, 450, 414, 238, 295, 432, 431, 308, 73, 320, 13, 52, 491, 203, 289, 303, 202, 255, 194, 88, 250, 337, 62, 230, 150, 261, 330, 262, 209, 132, 357, 87, 76, 198, 486, 60, 244, 457, 47, 392, 374, 276, 33, 79, 451, 180, 403, 247, 14, 459, 286, 421, 458, 228, 17, 38, 86, 231, 190, 232, 482, 23, 105, 484, 395, 427, 301, 474, 376, 405, 494, 471, 391, 313, 220, 0, 473, 145, 371, 213, 226, 381, 133, 281, 41, 64, 416, 21, 443, 161, 279, 285, 166, 124, 116, 449, 26, 165, 168, 193, 57, 208, 181, 89, 146, 182, 126, 125, 297, 1, 115, 28, 113, 225, 361, 351, 465, 172, 377, 162, 48, 170, 466, 505, 227, 36, 252, 502, 492, 119, 151, 385, 306, 120, 372, 390, 224, 122, 270, 100, 418, 433, 329, 365, 396, 91, 222, 55, 496, 498, 103, 51, 293, 215, 384, 127, 98, 483, 506, 282, 107, 27, 322, 74, 136, 229, 319, 328, 430, 343, 204, 221, 296, 12, 134, 454, 477, 408, 109, 84, 428, 317, 358, 394, 299, 205, 171, 288, 143, 68, 267, 216, 435, 149, 485, 434, 141, 464, 334, 404, 104, 352, 95, 387, 316, 214, 290, 46, 310, 348, 401, 260, 478, 292, 359, 326, 347, 456, 399, 373, 412, 360, 413], dtype=np.int32)
_GIDX = (np.arange(_G, dtype=np.int32)[:, None] * _N + _PERM[None, :])
_GIDX = _GIDX.reshape(_NW, _NCH, _C)


@jax.jit
def kernel(img):
    gidx = jnp.asarray(_GIDX)
    tbl = img.reshape(_ROWS, _D)
    out = _KERNEL(tbl, gidx)
    return out.reshape(img.shape)

# --- scband reference (transcript-rebuilt; emitter-appended) ---
"""Pipeline reference for scband-shuffle-dim-20349555048743 (READ-ONLY COPY).

The authoritative reference and input builder live on the scoring server;
editing this copy changes nothing except your own understanding.
"""

import jax, jax.numpy as jnp
import numpy as np


def setup_inputs(seed: int = 0) -> dict:
    key = jax.random.key(seed)
    img = jax.random.normal(key, (32, 3, 512, 512), dtype=jnp.float32)
    return {"img": img}


def reference(img):
    # shuffleDim(dim=2): torch.randperm over img.shape[dim], then index_select along dim.
    # Use a fixed PRNG key so the permutation is deterministic for testing.
    dim = 2
    n = img.shape[dim]
    perm = jax.random.permutation(jax.random.key(42), n)
    out = jnp.take(img, perm, axis=dim)
    return out

if __name__ == "__main__":
    import jax
    _d = setup_inputs()
    print(jax.jit(kernel)(*tuple(_d.values())))

</pallas_src>

<mosaic_0001>
#map = affine_map<(d0, d1) -> (0, 0)>
#map1 = affine_map<(d0, d1) -> (0, 0, 0)>
module attributes {stable_mosaic.version = 14 : i64} {
  func.func @k(%arg0: i32, %arg1: i32, %arg2: memref<49152x512xf32, #tpu.memory_space<hbm>>, %arg3: memref<32x16x96xi32, #tpu.memory_space<hbm>>, %arg4: memref<49152x512xf32, #tpu.memory_space<hbm>>, %arg5: memref<16x96xi32, #tpu.memory_space<vmem>>, %arg6: memref<96x512xf32, #tpu.memory_space<vmem>>, %arg7: memref<96x512xf32, #tpu.memory_space<vmem>>, %arg8: memref<!tpu.dma_semaphore, #tpu.memory_space<semaphore_mem>>, %arg9: memref<!tpu.dma_semaphore, #tpu.memory_space<semaphore_mem>>, %arg10: memref<!tpu.dma_semaphore, #tpu.memory_space<semaphore_mem>>, %arg11: memref<!tpu.dma_semaphore, #tpu.memory_space<semaphore_mem>>) attributes {dimension_semantics = [#tpu.dimension_semantics<core_parallel>, #tpu.dimension_semantics<subcore_parallel>], iteration_bounds = array<i64: 2, 16>, scalar_prefetch = 0 : i64, scratch_operands = 7 : i64, tpu.core_type = #tpu.core_type<sc_vector_subcore>, window_params = [{transform_indices = #map}, {transform_indices = #map1}, {transform_indices = #map}]} {
    %mul3A = arith.constant 2 : i32
    %mul3A_0 = arith.muli %arg1, %mul3A : i32
    %add3A = arith.addi %mul3A_0, %arg0 : i32
    %mul3A_1 = arith.constant 1536 : i32
    %mul3A_2 = arith.muli %add3A, %mul3A_1 : i32
    "tpu.region"() ({
      %run_scoped3A = tpu.sem_alloc : memref<!tpu.dma_semaphore, #tpu.memory_space<semaphore_mem>>
      %dma_start3A_68 = arith.constant 0 : i32
      %dma_start3A_69 = arith.constant 0 : i32
      %dma_start3A_70 = tpu.memref_slice %arg3[%add3A, %dma_start3A_68, %dma_start3A_69] : memref<32x16x96xi32, #tpu.memory_space<hbm>> -> memref<1x16x96xi32, #tpu.memory_space<hbm>>
      %dma_start3A_71 = tpu.memref_squeeze %dma_start3A_70 : memref<1x16x96xi32, #tpu.memory_space<hbm>> -> memref<16x96xi32, #tpu.memory_space<hbm>>
      %dma_start3A_72 = arith.constant 0 : i32
      %dma_start3A_73 = arith.constant 0 : i32
      %dma_start3A_74 = tpu.memref_slice %arg3[%add3A, %dma_start3A_72, %dma_start3A_73] : memref<32x16x96xi32, #tpu.memory_space<hbm>> -> memref<1x16x96xi32, #tpu.memory_space<hbm>>
      %dma_start3A_75 = tpu.memref_squeeze %dma_start3A_74 : memref<1x16x96xi32, #tpu.memory_space<hbm>> -> memref<16x96xi32, #tpu.memory_space<hbm>>
      tpu.enqueue_dma source(%dma_start3A_75 : memref<16x96xi32, #tpu.memory_space<hbm>>) target(%arg5 : memref<16x96xi32, #tpu.memory_space<vmem>>) target_semaphore(%run_scoped3A : memref<!tpu.dma_semaphore, #tpu.memory_space<semaphore_mem>>)
      %dma_wait3A_76 = arith.constant 0 : i32
      %dma_wait3A_77 = arith.constant 0 : i32
      %dma_wait3A_78 = tpu.memref_slice %arg3[%add3A, %dma_wait3A_76, %dma_wait3A_77] : memref<32x16x96xi32, #tpu.memory_space<hbm>> -> memref<1x16x96xi32, #tpu.memory_space<hbm>>
      %dma_wait3A_79 = tpu.memref_squeeze %dma_wait3A_78 : memref<1x16x96xi32, #tpu.memory_space<hbm>> -> memref<16x96xi32, #tpu.memory_space<hbm>>
      %dma_wait3A_80 = arith.constant 0 : i32
      %dma_wait3A_81 = arith.constant 0 : i32
      %dma_wait3A_82 = tpu.memref_slice %arg3[%add3A, %dma_wait3A_80, %dma_wait3A_81] : memref<32x16x96xi32, #tpu.memory_space<hbm>> -> memref<1x16x96xi32, #tpu.memory_space<hbm>>
      %dma_wait3A_83 = tpu.memref_squeeze %dma_wait3A_82 : memref<1x16x96xi32, #tpu.memory_space<hbm>> -> memref<16x96xi32, #tpu.memory_space<hbm>>
      tpu.wait_dma2 semaphore(%run_scoped3A : memref<!tpu.dma_semaphore, #tpu.memory_space<semaphore_mem>>) src(%dma_wait3A_83 : memref<16x96xi32, #tpu.memory_space<hbm>>) dst(%arg5 : memref<16x96xi32, #tpu.memory_space<vmem>>)
      tpu.yield
    }) : () -> ()
    %dma_start3A = arith.constant 0 : i32
    %dma_start3A_3 = arith.constant 0 : i32
    %dma_start3A_4 = tpu.memref_slice %arg5[%dma_start3A, %dma_start3A_3] : memref<16x96xi32, #tpu.memory_space<vmem>> -> memref<1x96xi32, #tpu.memory_space<vmem>>
    %dma_start3A_5 = tpu.memref_squeeze %dma_start3A_4 : memref<1x96xi32, #tpu.memory_space<vmem>> -> memref<96xi32, #tpu.memory_space<vmem>>
    %dma_start3A_6 = arith.constant 0 : i32
    %dma_start3A_7 = arith.constant 0 : i32
    %dma_start3A_8 = tpu.memref_slice %arg2[%dma_start3A_6, %dma_start3A_7] : memref<49152x512xf32, #tpu.memory_space<hbm>> -> memref<49152x512xf32, #tpu.memory_space<hbm>>
    tpu.enqueue_indirect_dma source(%dma_start3A_8 : memref<49152x512xf32, #tpu.memory_space<hbm>>) target(%arg6 : memref<96x512xf32, #tpu.memory_space<vmem>>) offsets(%dma_start3A_5 : memref<96xi32, #tpu.memory_space<vmem>>) semaphore(%arg8 : memref<!tpu.dma_semaphore, #tpu.memory_space<semaphore_mem>>)
    %dma_wait3A = arith.constant 0 : i32
    %dma_wait3A_9 = arith.constant 0 : i32
    %dma_wait3A_10 = tpu.memref_slice %arg5[%dma_wait3A, %dma_wait3A_9] : memref<16x96xi32, #tpu.memory_space<vmem>> -> memref<1x96xi32, #tpu.memory_space<vmem>>
    %dma_wait3A_11 = tpu.memref_squeeze %dma_wait3A_10 : memref<1x96xi32, #tpu.memory_space<vmem>> -> memref<96xi32, #tpu.memory_space<vmem>>
    %dma_wait3A_12 = arith.constant 0 : i32
    %dma_wait3A_13 = arith.constant 0 : i32
    %dma_wait3A_14 = tpu.memref_slice %arg2[%dma_wait3A_12, %dma_wait3A_13] : memref<49152x512xf32, #tpu.memory_space<hbm>> -> memref<49152x512xf32, #tpu.memory_space<hbm>>
    tpu.wait_indirect_dma semaphore(%arg8 : memref<!tpu.dma_semaphore, #tpu.memory_space<semaphore_mem>>) src(%dma_wait3A_14 : memref<49152x512xf32, #tpu.memory_space<hbm>>) dst(%arg6 : memref<96x512xf32, #tpu.memory_space<vmem>>)
    %dma_start3A_15 = arith.constant 0 : i32
    %dma_start3A_16 = arith.constant 0 : i32
    %dma_start3A_17 = tpu.memref_slice %arg6[%dma_start3A_15, %dma_start3A_16] : memref<96x512xf32, #tpu.memory_space<vmem>> -> memref<48x512xf32, #tpu.memory_space<vmem>>
    %dma_start3A_18 = arith.constant 0 : i32
    %dma_start3A_19 = tpu.memref_slice %arg4[%mul3A_2, %dma_start3A_18] : memref<49152x512xf32, #tpu.memory_space<hbm>> -> memref<48x512xf32, #tpu.memory_space<hbm>>
    %dma_start3A_20 = arith.constant 0 : i32
    %dma_start3A_21 = tpu.memref_slice %arg4[%mul3A_2, %dma_start3A_20] : memref<49152x512xf32, #tpu.memory_space<hbm>> -> memref<48x512xf32, #tpu.memory_space<hbm>>
    %dma_start3A_22 = arith.constant 0 : i32
    %dma_start3A_23 = arith.constant 0 : i32
    %dma_start3A_24 = tpu.memref_slice %arg6[%dma_start3A_22, %dma_start3A_23] : memref<96x512xf32, #tpu.memory_space<vmem>> -> memref<48x512xf32, #tpu.memory_space<vmem>>
    tpu.enqueue_dma source(%dma_start3A_24 : memref<48x512xf32, #tpu.memory_space<vmem>>) target(%dma_start3A_21 : memref<48x512xf32, #tpu.memory_space<hbm>>) target_semaphore(%arg8 : memref<!tpu.dma_semaphore, #tpu.memory_space<semaphore_mem>>)
    %add3A_25 = arith.constant 48 : i32
    %add3A_26 = arith.addi %mul3A_2, %add3A_25 : i32
    %dma_start3A_27 = arith.constant 48 : i32
    %dma_start3A_28 = arith.constant 0 : i32
    %dma_start3A_29 = tpu.memref_slice %arg6[%dma_start3A_27, %dma_start3A_28] : memref<96x512xf32, #tpu.memory_space<vmem>> -> memref<48x512xf32, #tpu.memory_space<vmem>>
    %dma_start3A_30 = arith.constant 0 : i32
    %dma_start3A_31 = tpu.memref_slice %arg4[%add3A_26, %dma_start3A_30] : memref<49152x512xf32, #tpu.memory_space<hbm>> -> memref<48x512xf32, #tpu.memory_space<hbm>>
    %dma_start3A_32 = arith.constant 0 : i32
    %dma_start3A_33 = tpu.memref_slice %arg4[%add3A_26, %dma_start3A_32] : memref<49152x512xf32, #tpu.memory_space<hbm>> -> memref<48x512xf32, #tpu.memory_space<hbm>>
    %dma_start3A_34 = arith.constant 48 : i32
    %dma_start3A_35 = arith.constant 0 : i32
    %dma_start3A_36 = tpu.memref_slice %arg6[%dma_start3A_34, %dma_start3A_35] : memref<96x512xf32, #tpu.memory_space<vmem>> -> memref<48x512xf32, #tpu.memory_space<vmem>>
    tpu.enqueue_dma source(%dma_start3A_36 : memref<48x512xf32, #tpu.memory_space<vmem>>) target(%dma_start3A_33 : memref<48x512xf32, #tpu.memory_space<hbm>>) target_semaphore(%arg9 : memref<!tpu.dma_semaphore, #tpu.memory_space<semaphore_mem>>)
    %add3A_37 = arith.constant 96 : i32
    %add3A_38 = arith.addi %mul3A_2, %add3A_37 : i32
    %dma_start3A_39 = arith.constant 0 : i32
    %dma_start3A_40 = arith.constant 0 : i32
    %dma_start3A_41 = tpu.memref_slice %arg7[%dma_start3A_39, %dma_start3A_40] : memref<96x512xf32, #tpu.memory_space<vmem>> -> memref<48x512xf32, #tpu.memory_space<vmem>>
    %dma_start3A_42 = arith.constant 0 : i32
    %dma_start3A_43 = tpu.memref_slice %arg4[%add3A_38, %dma_start3A_42] : memref<49152x512xf32, #tpu.memory_space<hbm>> -> memref<48x512xf32, #tpu.memory_space<hbm>>
    %dma_start3A_44 = arith.constant 0 : i32
    %dma_start3A_45 = tpu.memref_slice %arg4[%add3A_38, %dma_start3A_44] : memref<49152x512xf32, #tpu.memory_space<hbm>> -> memref<48x512xf32, #tpu.memory_space<hbm>>
    %dma_start3A_46 = arith.constant 0 : i32
    %dma_start3A_47 = arith.constant 0 : i32
    %dma_start3A_48 = tpu.memref_slice %arg7[%dma_start3A_46, %dma_start3A_47] : memref<96x512xf32, #tpu.memory_space<vmem>> -> memref<48x512xf32, #tpu.memory_space<vmem>>
    tpu.enqueue_dma source(%dma_start3A_48 : memref<48x512xf32, #tpu.memory_space<vmem>>) target(%dma_start3A_45 : memref<48x512xf32, #tpu.memory_space<hbm>>) target_semaphore(%arg10 : memref<!tpu.dma_semaphore, #tpu.memory_space<semaphore_mem>>)
    %add3A_49 = arith.constant 96 : i32
    %add3A_50 = arith.addi %mul3A_2, %add3A_49 : i32
    %add3A_51 = arith.constant 48 : i32
    %add3A_52 = arith.addi %add3A_50, %add3A_51 : i32
    %dma_start3A_53 = arith.constant 48 : i32
    %dma_start3A_54 = arith.constant 0 : i32
    %dma_start3A_55 = tpu.memref_slice %arg7[%dma_start3A_53, %dma_start3A_54] : memref<96x512xf32, #tpu.memory_space<vmem>> -> memref<48x512xf32, #tpu.memory_space<vmem>>
    %dma_start3A_56 = arith.constant 0 : i32
    %dma_start3A_57 = tpu.memref_slice %arg4[%add3A_52, %dma_start3A_56] : memref<49152x512xf32, #tpu.memory_space<hbm>> -> memref<48x512xf32, #tpu.memory_space<hbm>>
    %dma_start3A_58 = arith.constant 0 : i32
    %dma_start3A_59 = tpu.memref_slice %arg4[%add3A_52, %dma_start3A_58] : memref<49152x512xf32, #tpu.memory_space<hbm>> -> memref<48x512xf32, #tpu.memory_space<hbm>>
    %dma_start3A_60 = arith.constant 48 : i32
    %dma_start3A_61 = arith.constant 0 : i32
    %dma_start3A_62 = tpu.memref_slice %arg7[%dma_start3A_60, %dma_start3A_61] : memref<96x512xf32, #tpu.memory_space<vmem>> -> memref<48x512xf32, #tpu.memory_space<vmem>>
    tpu.enqueue_dma source(%dma_start3A_62 : memref<48x512xf32, #tpu.memory_space<vmem>>) target(%dma_start3A_59 : memref<48x512xf32, #tpu.memory_space<hbm>>) target_semaphore(%arg11 : memref<!tpu.dma_semaphore, #tpu.memory_space<semaphore_mem>>)
    %scan3A = arith.constant 0 : i32
    %scan3A_63 = arith.constant 0 : i32
    %scan3A_64 = arith.constant 8 : i32
    %scan3A_65 = arith.addi %scan3A_63, %scan3A_64 : i32
    %scan3A_66 = arith.constant 1 : i32
    scf.for %scan3A_68 = %scan3A_63 to %scan3A_65 step %scan3A_66  : i32 {
      %mul3A_69 = arith.constant 2 : i32
      %mul3A_70 = arith.muli %mul3A_69, %scan3A_68 : i32
      %add3A_71 = arith.constant 1 : i32
      %add3A_72 = arith.addi %mul3A_70, %add3A_71 : i32
      %dma_wait3A_73 = arith.constant 0 : i32
      %dma_wait3A_74 = arith.constant 0 : i32
      %dma_wait3A_75 = tpu.memref_slice %arg6[%dma_wait3A_73, %dma_wait3A_74] : memref<96x512xf32, #tpu.memory_space<vmem>> -> memref<48x512xf32, #tpu.memory_space<vmem>>
      %dma_wait3A_76 = arith.constant 0 : i32
      %dma_wait3A_77 = tpu.memref_slice %arg4[%mul3A_2, %dma_wait3A_76] : memref<49152x512xf32, #tpu.memory_space<hbm>> -> memref<48x512xf32, #tpu.memory_space<hbm>>
      %dma_wait3A_78 = arith.constant 0 : i32
      %dma_wait3A_79 = tpu.memref_slice %arg4[%mul3A_2, %dma_wait3A_78] : memref<49152x512xf32, #tpu.memory_space<hbm>> -> memref<48x512xf32, #tpu.memory_space<hbm>>
      %dma_wait3A_80 = arith.constant 0 : i32
      %dma_wait3A_81 = arith.constant 0 : i32
      %dma_wait3A_82 = tpu.memref_slice %arg6[%dma_wait3A_80, %dma_wait3A_81] : memref<96x512xf32, #tpu.memory_space<vmem>> -> memref<48x512xf32, #tpu.memory_space<vmem>>
      tpu.wait_dma2 semaphore(%arg8 : memref<!tpu.dma_semaphore, #tpu.memory_space<semaphore_mem>>) src(%dma_wait3A_82 : memref<48x512xf32, #tpu.memory_space<vmem>>) dst(%dma_wait3A_79 : memref<48x512xf32, #tpu.memory_space<hbm>>)
      %dma_wait3A_83 = arith.constant 48 : i32
      %dma_wait3A_84 = arith.constant 0 : i32
      %dma_wait3A_85 = tpu.memref_slice %arg6[%dma_wait3A_83, %dma_wait3A_84] : memref<96x512xf32, #tpu.memory_space<vmem>> -> memref<48x512xf32, #tpu.memory_space<vmem>>
      %dma_wait3A_86 = arith.constant 0 : i32
      %dma_wait3A_87 = tpu.memref_slice %arg4[%mul3A_2, %dma_wait3A_86] : memref<49152x512xf32, #tpu.memory_space<hbm>> -> memref<48x512xf32, #tpu.memory_space<hbm>>
      %dma_wait3A_88 = arith.constant 0 : i32
      %dma_wait3A_89 = tpu.memref_slice %arg4[%mul3A_2, %dma_wait3A_88] : memref<49152x512xf32, #tpu.memory_space<hbm>> -> memref<48x512xf32, #tpu.memory_space<hbm>>
      %dma_wait3A_90 = arith.constant 48 : i32
      %dma_wait3A_91 = arith.constant 0 : i32
      %dma_wait3A_92 = tpu.memref_slice %arg6[%dma_wait3A_90, %dma_wait3A_91] : memref<96x512xf32, #tpu.memory_space<vmem>> -> memref<48x512xf32, #tpu.memory_space<vmem>>
      tpu.wait_dma2 semaphore(%arg9 : memref<!tpu.dma_semaphore, #tpu.memory_space<semaphore_mem>>) src(%dma_wait3A_92 : memref<48x512xf32, #tpu.memory_space<vmem>>) dst(%dma_wait3A_89 : memref<48x512xf32, #tpu.memory_space<hbm>>)
      %lt3A = arith.constant 7 : i32
      %lt3A_93 = arith.cmpi slt, %scan3A_68, %lt3A : i32
      %convert_element_type3A = arith.extui %lt3A_93 : i1 to i32
      %cond3A = arith.constant 0 : i32
      %cond3A_94 = arith.cmpi ne, %convert_element_type3A, %cond3A : i32
      scf.if %cond3A_94 {
        %add3A_120 = arith.constant 2 : i32
        %add3A_121 = arith.addi %mul3A_70, %add3A_120 : i32
        %mul3A_122 = arith.constant 96 : i32
        %mul3A_123 = arith.muli %add3A_121, %mul3A_122 : i32
        %add3A_124 = arith.addi %mul3A_2, %mul3A_123 : i32
        %dma_start3A_125 = arith.constant 0 : i32
        %dma_start3A_126 = arith.constant 0 : i32
        %dma_start3A_127 = tpu.memref_slice %arg6[%dma_start3A_125, %dma_start3A_126] : memref<96x512xf32, #tpu.memory_space<vmem>> -> memref<48x512xf32, #tpu.memory_space<vmem>>
        %dma_start3A_128 = arith.constant 0 : i32
        %dma_start3A_129 = tpu.memref_slice %arg4[%add3A_124, %dma_start3A_128] : memref<49152x512xf32, #tpu.memory_space<hbm>> -> memref<48x512xf32, #tpu.memory_space<hbm>>
        %dma_start3A_130 = arith.constant 0 : i32
        %dma_start3A_131 = tpu.memref_slice %arg4[%add3A_124, %dma_start3A_130] : memref<49152x512xf32, #tpu.memory_space<hbm>> -> memref<48x512xf32, #tpu.memory_space<hbm>>
        %dma_start3A_132 = arith.constant 0 : i32
        %dma_start3A_133 = arith.constant 0 : i32
        %dma_start3A_134 = tpu.memref_slice %arg6[%dma_start3A_132, %dma_start3A_133] : memref<96x512xf32, #tpu.memory_space<vmem>> -> memref<48x512xf32, #tpu.memory_space<vmem>>
        tpu.enqueue_dma source(%dma_start3A_134 : memref<48x512xf32, #tpu.memory_space<vmem>>) target(%dma_start3A_131 : memref<48x512xf32, #tpu.memory_space<hbm>>) target_semaphore(%arg8 : memref<!tpu.dma_semaphore, #tpu.memory_space<semaphore_mem>>)
        %add3A_135 = arith.constant 48 : i32
        %add3A_136 = arith.addi %add3A_124, %add3A_135 : i32
        %dma_start3A_137 = arith.constant 48 : i32
        %dma_start3A_138 = arith.constant 0 : i32
        %dma_start3A_139 = tpu.memref_slice %arg6[%dma_start3A_137, %dma_start3A_138] : memref<96x512xf32, #tpu.memory_space<vmem>> -> memref<48x512xf32, #tpu.memory_space<vmem>>
        %dma_start3A_140 = arith.constant 0 : i32
        %dma_start3A_141 = tpu.memref_slice %arg4[%add3A_136, %dma_start3A_140] : memref<49152x512xf32, #tpu.memory_space<hbm>> -> memref<48x512xf32, #tpu.memory_space<hbm>>
        %dma_start3A_142 = arith.constant 0 : i32
        %dma_start3A_143 = tpu.memref_slice %arg4[%add3A_136, %dma_start3A_142] : memref<49152x512xf32, #tpu.memory_space<hbm>> -> memref<48x512xf32, #tpu.memory_space<hbm>>
        %dma_start3A_144 = arith.constant 48 : i32
        %dma_start3A_145 = arith.constant 0 : i32
        %dma_start3A_146 = tpu.memref_slice %arg6[%dma_start3A_144, %dma_start3A_145] : memref<96x512xf32, #tpu.memory_space<vmem>> -> memref<48x512xf32, #tpu.memory_space<vmem>>
        tpu.enqueue_dma source(%dma_start3A_146 : memref<48x512xf32, #tpu.memory_space<vmem>>) target(%dma_start3A_143 : memref<48x512xf32, #tpu.memory_space<hbm>>) target_semaphore(%arg9 : memref<!tpu.dma_semaphore, #tpu.memory_space<semaphore_mem>>)
      } else {
      }
      %dma_wait3A_95 = arith.constant 0 : i32
      %dma_wait3A_96 = arith.constant 0 : i32
      %dma_wait3A_97 = tpu.memref_slice %arg7[%dma_wait3A_95, %dma_wait3A_96] : memref<96x512xf32, #tpu.memory_space<vmem>> -> memref<48x512xf32, #tpu.memory_space<vmem>>
      %dma_wait3A_98 = arith.constant 0 : i32
      %dma_wait3A_99 = tpu.memref_slice %arg4[%mul3A_2, %dma_wait3A_98] : memref<49152x512xf32, #tpu.memory_space<hbm>> -> memref<48x512xf32, #tpu.memory_space<hbm>>
      %dma_wait3A_100 = arith.constant 0 : i32
      %dma_wait3A_101 = tpu.memref_slice %arg4[%mul3A_2, %dma_wait3A_100] : memref<49152x512xf32, #tpu.memory_space<hbm>> -> memref<48x512xf32, #tpu.memory_space<hbm>>
      %dma_wait3A_102 = arith.constant 0 : i32
      %dma_wait3A_103 = arith.constant 0 : i32
      %dma_wait3A_104 = tpu.memref_slice %arg7[%dma_wait3A_102, %dma_wait3A_103] : memref<96x512xf32, #tpu.memory_space<vmem>> -> memref<48x512xf32, #tpu.memory_space<vmem>>
      tpu.wait_dma2 semaphore(%arg10 : memref<!tpu.dma_semaphore, #tpu.memory_space<semaphore_mem>>) src(%dma_wait3A_104 : memref<48x512xf32, #tpu.memory_space<vmem>>) dst(%dma_wait3A_101 : memref<48x512xf32, #tpu.memory_space<hbm>>)
      %dma_wait3A_105 = arith.constant 48 : i32
      %dma_wait3A_106 = arith.constant 0 : i32
      %dma_wait3A_107 = tpu.memref_slice %arg7[%dma_wait3A_105, %dma_wait3A_106] : memref<96x512xf32, #tpu.memory_space<vmem>> -> memref<48x512xf32, #tpu.memory_space<vmem>>
      %dma_wait3A_108 = arith.constant 0 : i32
      %dma_wait3A_109 = tpu.memref_slice %arg4[%mul3A_2, %dma_wait3A_108] : memref<49152x512xf32, #tpu.memory_space<hbm>> -> memref<48x512xf32, #tpu.memory_space<hbm>>
      %dma_wait3A_110 = arith.constant 0 : i32
      %dma_wait3A_111 = tpu.memref_slice %arg4[%mul3A_2, %dma_wait3A_110] : memref<49152x512xf32, #tpu.memory_space<hbm>> -> memref<48x512xf32, #tpu.memory_space<hbm>>
      %dma_wait3A_112 = arith.constant 48 : i32
      %dma_wait3A_113 = arith.constant 0 : i32
      %dma_wait3A_114 = tpu.memref_slice %arg7[%dma_wait3A_112, %dma_wait3A_113] : memref<96x512xf32, #tpu.memory_space<vmem>> -> memref<48x512xf32, #tpu.memory_space<vmem>>
      tpu.wait_dma2 semaphore(%arg11 : memref<!tpu.dma_semaphore, #tpu.memory_space<semaphore_mem>>) src(%dma_wait3A_114 : memref<48x512xf32, #tpu.memory_space<vmem>>) dst(%dma_wait3A_111 : memref<48x512xf32, #tpu.memory_space<hbm>>)
      %lt3A_115 = arith.constant 7 : i32
      %lt3A_116 = arith.cmpi slt, %scan3A_68, %lt3A_115 : i32
      %convert_element_type3A_117 = arith.extui %lt3A_116 : i1 to i32
      %cond3A_118 = arith.constant 0 : i32
      %cond3A_119 = arith.cmpi ne, %convert_element_type3A_117, %cond3A_118 : i32
      scf.if %cond3A_119 {
        %add3A_120 = arith.constant 2 : i32
        %add3A_121 = arith.addi %add3A_72, %add3A_120 : i32
        %mul3A_122 = arith.constant 96 : i32
        %mul3A_123 = arith.muli %add3A_121, %mul3A_122 : i32
        %add3A_124 = arith.addi %mul3A_2, %mul3A_123 : i32
        %dma_start3A_125 = arith.constant 0 : i32
        %dma_start3A_126 = arith.constant 0 : i32
        %dma_start3A_127 = tpu.memref_slice %arg7[%dma_start3A_125, %dma_start3A_126] : memref<96x512xf32, #tpu.memory_space<vmem>> -> memref<48x512xf32, #tpu.memory_space<vmem>>
        %dma_start3A_128 = arith.constant 0 : i32
        %dma_start3A_129 = tpu.memref_slice %arg4[%add3A_124, %dma_start3A_128] : memref<49152x512xf32, #tpu.memory_space<hbm>> -> memref<48x512xf32, #tpu.memory_space<hbm>>
        %dma_start3A_130 = arith.constant 0 : i32
        %dma_start3A_131 = tpu.memref_slice %arg4[%add3A_124, %dma_start3A_130] : memref<49152x512xf32, #tpu.memory_space<hbm>> -> memref<48x512xf32, #tpu.memory_space<hbm>>
        %dma_start3A_132 = arith.constant 0 : i32
        %dma_start3A_133 = arith.constant 0 : i32
        %dma_start3A_134 = tpu.memref_slice %arg7[%dma_start3A_132, %dma_start3A_133] : memref<96x512xf32, #tpu.memory_space<vmem>> -> memref<48x512xf32, #tpu.memory_space<vmem>>
        tpu.enqueue_dma source(%dma_start3A_134 : memref<48x512xf32, #tpu.memory_space<vmem>>) target(%dma_start3A_131 : memref<48x512xf32, #tpu.memory_space<hbm>>) target_semaphore(%arg10 : memref<!tpu.dma_semaphore, #tpu.memory_space<semaphore_mem>>)
        %add3A_135 = arith.constant 48 : i32
        %add3A_136 = arith.addi %add3A_124, %add3A_135 : i32
        %dma_start3A_137 = arith.constant 48 : i32
        %dma_start3A_138 = arith.constant 0 : i32
        %dma_start3A_139 = tpu.memref_slice %arg7[%dma_start3A_137, %dma_start3A_138] : memref<96x512xf32, #tpu.memory_space<vmem>> -> memref<48x512xf32, #tpu.memory_space<vmem>>
        %dma_start3A_140 = arith.constant 0 : i32
        %dma_start3A_141 = tpu.memref_slice %arg4[%add3A_136, %dma_start3A_140] : memref<49152x512xf32, #tpu.memory_space<hbm>> -> memref<48x512xf32, #tpu.memory_space<hbm>>
        %dma_start3A_142 = arith.constant 0 : i32
        %dma_start3A_143 = tpu.memref_slice %arg4[%add3A_136, %dma_start3A_142] : memref<49152x512xf32, #tpu.memory_space<hbm>> -> memref<48x512xf32, #tpu.memory_space<hbm>>
        %dma_start3A_144 = arith.constant 48 : i32
        %dma_start3A_145 = arith.constant 0 : i32
        %dma_start3A_146 = tpu.memref_slice %arg7[%dma_start3A_144, %dma_start3A_145] : memref<96x512xf32, #tpu.memory_space<vmem>> -> memref<48x512xf32, #tpu.memory_space<vmem>>
        tpu.enqueue_dma source(%dma_start3A_146 : memref<48x512xf32, #tpu.memory_space<vmem>>) target(%dma_start3A_143 : memref<48x512xf32, #tpu.memory_space<hbm>>) target_semaphore(%arg11 : memref<!tpu.dma_semaphore, #tpu.memory_space<semaphore_mem>>)
      } else {
      }
    }
    %scan3A_67 = arith.constant 8 : i32
    return
  }
}

</mosaic_0001>

<sc_bundles>
// kernel: kernel.3.cloned.1.call-start
scs
__scs_entry_jumppad:
0x0: {  	(pc) =	sbr.rel $0x88, $3  }
0x1: {  	(tag) =	ssettag $0x0;
	lr =	simm.s32 $0x1  }
0x2: {  	[smem:$0x3FA0] =	sst lr;
	_ =	strace $0xD0000000  }
0x3: {  	_ = 	snop  }
0x4: {  	_ = 	snop  }
0x5: {  	_ = 	snop  }
0x6: {  	_ = 	snop  }
0x7: {  	_ = 	snop  }
__scs_overlays_trampoline_lowered:
0x8: {  	[smem:$0x3FAF] =	sst s0  }
0x9: {  	[smem:$0x3FB0] =	sst s1  }
0xa: {  	[smem:$0x3FB1] =	sst s2  }
0xb: {  	[smem:$0x3FB2] =	sst s3  }
0xc: {  	[smem:$0x3FB3] =	sst s4  }
0xd: {  	[smem:$0x3FB4] =	sst s5  }
0xe: {  	[smem:$0x3FB5] =	sst s6  }
0xf: {  	[smem:$0x3FB6] =	sst s7  }
0x10: {  	[smem:$0x3FB7] =	sst s8  }
0x11: {  	[smem:$0x3FB8] =	sst s9;
	s0 =	simm.s32 @!p0 $0x0  }
0x12: {  	s1 =	sld [smem:$0x3F9E];
	s0 =	simm.s32 @p0 $0x1  }
0x13: {  	[smem:$0x3FB9] =	sst s0;
	s0 =	simm.s32 @!p1 $0x0  }
0x14: {  	s2 =	sld [smem:$0x3F9D];
	s0 =	simm.s32 @p1 $0x1  }
0x15: {  	[smem:$0x3FBA] =	sst s0;
	s0 =	simm.s32 @!p2 $0x0  }
0x16: {  	s3 =	sld [smem:$0x3FDB];
	s0 =	simm.s32 @p2 $0x1  }
0x17: {  	s4 =	simm.s32 $0x1BF5;
	[smem:$0x3FBC] =	sst s0  }
0x18: {  	s0 =	sld [smem:$0x3F9F];
	_ =	swait.ge [sflag:s4], $0x0  }
0x19: {  	s7 =	sld [smem:$0x3FA0]  }
0x1a: {  	s8 =	sadd.s32 $0xFFFFE003, lr  }
0x1b: {  	s9 =	sadd.s32 $0xFFFFFEF7, lr;
	s5 =	simm.s32 $0xFFFFFFFF;
	p2 =	slt.u32 s8, $0xFFFFF086  }
0x1c: {  	p1 =	slt.u32 s9, $0xF7A;
	s5 =	simm.s32 @!p2 $0x0  }
0x1d: {  	s5 =	simm.s32 @p1 $0x1;
	p0 =	seq.s32 s7, s2  }
0x1e: {  	s7 =	smul.u32 @!p0 $0xF7A, s2;
	p2 =	seq.s32 @!p0 s5, $0x0  }
0x1f: {  	s9 =	smul.u32 $0xF7A, s1;
	s8 =	simm.s32 @!p0 $0x1BF5;
	p2 =	por !p2, p0  }
0x20: {  	[sflag:s8] =	ssyncset.s32 @!p0 $0xFFFFF086;
	s6 =	sadd.s32 @!p0 s3, s7;
	s7 =	simm.s32 @!p0 $0x108  }
0x21: {  	s3 =	sadd.s32 s3, s9;
	s6 =	sadd.s32 @!p0 $0x88, s6;
	s7 =	simm.s32 @p2 $0x1082  }
0x22: {  	[simem:s7], [sflag:s8] =	dma.local @!p0 [hbm:s6], $0xF7A  }
0x23: {  	s9 =	sor.u32 $0xD0000000, s2;
	s6 =	simm.s32 $0x108;
	_ =	swait.ge @!p0 [sflag:s8], $0x0  }
0x24: {  	s3 =	sadd.s32 $0x88, s3;
	s6 =	simm.s32 @!p1 $0x1082;
	[sflag:s4] =	ssyncset.s32 $0xFFFFF086  }
0x25: {  	[simem:s6], [sflag:s4] =	dma.local [hbm:s3], $0xF7A  }
0x26: {  	[smem:$0x3FA0] =	sst s1;
	(tag) =	ssettag s2;
	_ =	strace s9  }
0x27: {  	s1 =	sld [smem:$0x3FB0]  }
0x28: {  	s2 =	sld [smem:$0x3FB1]  }
0x29: {  	s4 =	sld [smem:$0x3FB3]  }
0x2a: {  	p0 =	seq.s32 s5, $0x0;
	s5 =	sld [smem:$0x3FB4]  }
0x2b: {  	s6 =	sld [smem:$0x3FB5]  }
0x2c: {  	s7 =	sld [smem:$0x3FB6]  }
0x2d: {  	s3 =	simm.s32 $0x108;
	s8 =	sld [smem:$0x3FB7]  }
0x2e: {  	s3 =	simm.s32 @!p0 $0x1082;
	s9 =	sld [smem:$0x3FB8]  }
0x2f: {  	lr =	sadd.s32 s0, s3;
	s0 =	sld [smem:$0x3FAF]  }
0x30: {  	s3 =	sld [smem:$0x3FB2]  }
0x31: {  	[smem:$0x3FBB] =	sst s10  }
0x32: {  	s10 =	sld [smem:$0x3FB9];
	_ =	sdelay $0x3  }
0x33: {  	p0 =	seq.s32 s10, $0x1;
	s10 =	sld [smem:$0x3FBB];
	_ =	sdelay $0x3  }
0x34: {  	[smem:$0x3FBB] =	sst s10  }
0x35: {  	s10 =	sld [smem:$0x3FBA];
	_ =	sdelay $0x3  }
0x36: {  	p1 =	seq.s32 s10, $0x1;
	s10 =	sld [smem:$0x3FBB];
	_ =	sdelay $0x3  }
0x37: {  	[smem:$0x3FBB] =	sst s10  }
0x38: {  	s10 =	sld [smem:$0x3FBC]  }
0x39: {  	_ = 	snop;
	(pc) =	sbr.ind lr, $3  }
0x3a: {  	_ = 	snop  }
0x3b: {  	_ = 	snop  }
0x3c: {  	p2 =	seq.s32 s10, $0x1;
	s10 =	sld [smem:$0x3FBB]  }
0x3d: {  	_ =	shalt  }
0x3e: {  	_ =	shalt  }
0x3f: {  	_ =	shalt  }
0x40: {  	_ =	shalt  }
0x41: {  	_ =	shalt  }
0x42: {  	_ =	shalt  }
0x43: {  	_ =	shalt  }
0x44: {  	_ =	shalt  }
0x45: {  	_ =	shalt  }
0x46: {  	_ =	shalt  }
0x47: {  	_ =	shalt  }
0x48: {  	_ =	shalt  }
0x49: {  	_ =	shalt  }
0x4a: {  	_ =	shalt  }
0x4b: {  	_ =	shalt  }
0x4c: {  	_ =	shalt  }
0x4d: {  	_ =	shalt  }
0x4e: {  	_ =	shalt  }
0x4f: {  	_ =	shalt  }
0x50: {  	_ =	shalt  }
0x51: {  	_ =	shalt  }
0x52: {  	_ =	shalt  }
0x53: {  	_ =	shalt  }
0x54: {  	_ =	shalt  }
0x55: {  	_ =	shalt  }
0x56: {  	_ =	shalt  }
0x57: {  	_ =	shalt  }
0x58: {  	_ =	shalt  }
0x59: {  	_ =	shalt  }
0x5a: {  	_ =	shalt  }
0x5b: {  	_ =	shalt  }
0x5c: {  	_ =	shalt  }
0x5d: {  	_ =	shalt  }
0x5e: {  	_ =	shalt  }
0x5f: {  	_ =	shalt  }
0x60: {  	_ =	shalt  }
0x61: {  	_ =	shalt  }
0x62: {  	_ =	shalt  }
0x63: {  	_ =	shalt  }
0x64: {  	_ =	shalt  }
0x65: {  	_ =	shalt  }
0x66: {  	_ =	shalt  }
0x67: {  	_ =	shalt  }
0x68: {  	_ =	shalt  }
0x69: {  	_ =	shalt  }
0x6a: {  	_ =	shalt  }
0x6b: {  	_ =	shalt  }
0x6c: {  	_ =	shalt  }
0x6d: {  	_ =	shalt  }
0x6e: {  	_ =	shalt  }
0x6f: {  	_ =	shalt  }
0x70: {  	_ =	shalt  }
0x71: {  	_ =	shalt  }
0x72: {  	_ =	shalt  }
0x73: {  	_ =	shalt  }
0x74: {  	_ =	shalt  }
0x75: {  	_ =	shalt  }
0x76: {  	_ =	shalt  }
0x77: {  	_ =	shalt  }
0x78: {  	_ =	shalt  }
0x79: {  	_ =	shalt  }
0x7a: {  	_ =	shalt  }
0x7b: {  	_ =	shalt  }
0x7c: {  	_ =	shalt  }
0x7d: {  	_ =	shalt  }
0x7e: {  	_ =	shalt  }
0x7f: {  	_ =	shalt  }
0x80: {  	_ =	shalt  }
0x81: {  	_ =	shalt  }
0x82: {  	_ =	shalt  }
0x83: {  	_ =	shalt  }
0x84: {  	_ =	shalt  }
0x85: {  	_ =	shalt  }
0x86: {  	_ =	shalt  }
0x87: {  	_ =	shalt  }
.Lfunc_end0:
.L_simem_size_0:
called_computation_lowered:
.L_overlay_start_0:
0x88: {  	s2 =	sld [smem:$0x3FD9]  }
0x89: {  	s3 =	sld [smem:$0x3FFE];
	_ =	sdelay $0x1  }
0x8a: {  	s1 =	srdreg.scid  }
0x8b: {  	s0 =	sand.u32 $0x1, s1  }
0x8c: {  	s17 =	sshll.u32 s0, $0xA;
	s2 =	sadd.s32 s3, s2  }
0x8d: {  	s2 =	sadd.s32 s2, s17  }
0x8e: {  	[smem:$0x3FC7] =	sst s2  }
0x8f: {  	_ = 	snop  }
0x90: {  	s2 =	sld [smem:$0x3FC9]  }
0x91: {  	s18 =	sld [smem:$0x3FD0];
	(tm) =	ssettm $0x1  }
0x92: {  	s4 =	sld [smem:$0x3FFB];
	_ =	sdelay $0x3  }
0x93: {  	_ =	strace s4  }
0x94: {  	s4 =	sld [smem:$0x3FFC];
	_ =	sdelay $0x3  }
0x95: {  	_ =	strace s4  }
0x96: {  	s4 =	sld [smem:$0x3FFD];
	_ =	sdelay $0x3  }
0x97: {  	_ =	strace s4  }
0x98: {  	_ =	strace $0x8FFFFFFF  }
0x99: {  	s19 =	sld [smem:$0x3FDB];
	_ =	sdelay $0x1  }
0x9a: {  	s5 =	simm.s32 $_scs_section_size  }
0x9b: {  	s6 =	simm.s32 $_size__tile_overlayer_lowered;
	s7 =	simm.s32 $_tile_overlayer_lowered  }
0x9c: {  	s22 =	simm.s32 $0x1BFF;
	s21 =	sshll.u32 s7, $0x1;
	s4 =	sadd.s32 s5, s19  }
0x9d: {  	s8 =	simm.s32 $0x0;
	s20 =	sshll.u32 s6, $0x1;
	s6 =	sadd.s32 s21, s4  }
0x9e: {  	[timem:s8], [sflag:s22] =	dma.local [hbm:s6], s20  }
0x9f: {  	_ =	swait.ge [sflag:s22], s20  }
0xa0: {  	s5 =	ssub.s32 $0x0, s20;
	[sflag:s22] =	ssyncset.done $0x0  }
0xa1: {  	[sflag:s22] =	ssyncadd.s32 s5;
	_ =	sdelay $0x1  }
0xa2: {  	s23 =	simm.s32 $0x1B8B  }
0xa3: {  	_ =	swait.ge [sflag:s23], $0x1  }
0xa4: {  	[sflag:s23] =	ssyncset.done $0x0  }
0xa5: {  	s25 =	simm.s32 $0x1B8E;
	s24 =	sld [smem:$0x3FFE];
	[sflag:s23] =	ssyncadd.s32 $0xFFFFFFFF  }
0xa6: {  	s26 =	simm.s32 $execute0_lowered;
	[smem:$0x3FD2] =	sst s25  }
0xa7: {  	s6 =	sshll.u32 s26, $0x1;
	_ =	strace $0x80000046;
	[dreg:$0x1] =	wrdreg $0xFFFFFFFF  }
0xa8: {  	s28 =	simm.s32 $_size_execute0_lowered;
	s4 =	sadd.s32 s4, s6;
	[dreg:$0x0] =	wrdreg $0x0  }
0xa9: {  	s6 =	sshll.u32 s28, $0x1;
	[dreg:$0x2] =	wrdreg s4  }
0xaa: {  	[dreg:$0x3] =	wrdreg s6  }
0xab: {  	[dreg:$0x4] =	wrdreg $0xC0  }
0xac: {  	_ =	task [dreg:s8], $0x5FFFF  }
0xad: {  	[dreg:$0x1] =	wrdreg $0xFFFFFFFF  }
0xae: {  	[dreg:$0x0] =	wrdreg $0x60  }
0xaf: {  	[dreg:$0x2] =	wrdreg s2  }
0xb0: {  	[dreg:$0x3] =	wrdreg s24  }
0xb1: {  	[dreg:$0x4] =	wrdreg s18  }
0xb2: {  	[dreg:$0x5] =	wrdreg $0x9  }
0xb3: {  	_ =	task.clear_ibuf [dreg:s8], $0x6FFFF;
	_ =	strace $0x90000046  }
0xb4: {  	s29 =	simm.s32 $0x9;
	_ =	strace $0x80000048  }
0xb5: {  	_ =	swait.ge [sflag:s29], $0x1  }
0xb6: {  	[sflag:s29] =	ssyncadd.s32 $0xFFFFFFFF  }
0xb7: {  	_ =	strace $0x90000048  }
0xb8: {  	_ =	sfence  }
0xb9: {  	s30 =	sld [smem:$0x0];
	_ =	sdelay $0x2  }
0xba: {  	s31 =	sshll.u32 s1, $0xD;
	s1 =	sshrl.u32 s1, $0x2  }
0xbb: {  	s3 =	sand.u32 $0x4000, s31;
	s1 =	sadd.s32 s1, s30  }
0xbc: {  	s0 =	sor.u32 s3, s0;
	s1 =	sshll.u32 s1, $0x11  }
0xbd: {  	s0 =	sor.u32 s1, s0  }
0xbe: {  	s0 =	sadd.s32 $0x8F2B, s0  }
0xbf: {  	[sflag:s0] =	ssyncadd.remote.s32 $0x1  }
0xc0: {  	_ =	sfence.sel $0xFFFF  }
0xc1: {  	[dreg:$0x0] =	wrdreg $0xFFFFFFFF;
	(pc) =	sbr.abs _section_cstart, $3  }
0xc2: {  	[dreg:$0x1] =	wrdreg $0xFFFFFFFF  }
0xc3: {  	_ =	task.clear_ibuf [dreg:s8], $0x2FFFF;
	_ =	strace $0x9FFFFFFF  }
0xc4: {  	(tm) =	ssettm $0x7FFFFFFF  }
0xc5: {  	_ =	shalt  }
tec
execute0_lowered:
.L_overlay_start_1:
0x0: {  	(tag) =	ssettag $0x1  }
0x1: {  	s1 =	rddreg [dreg:$0x0]  }
0x2: {  	s0 =	rddreg [dreg:$0x1]  }
0x3: {  	s2 =	rddreg [dreg:$0x2]  }
0x4: {  	s4 =	srdreg.scid;
	s8 =	stileid.u32;
	s3 =	simm.s32 $0x0  }
0x5: {  	s26 =	simm.s32 $0x6800;
	s15 =	simm.s32 $0xA000;
	s16 =	simm.s32 $0xA800  }
0x6: {  	s17 =	simm.s32 $0xB000;
	s18 =	simm.s32 $0xB800;
	s19 =	simm.s32 $0xC000  }
0x7: {  	s20 =	simm.s32 $0x1;
	s21 =	simm.s32 $0xC800;
	s22 =	simm.s32 $0x12800  }
0x8: {  	s23 =	simm.s32 $0x2;
	s24 =	simm.s32 $0x3;
	s25 =	simm.s32 $0x4  }
0x9: {  	s28 =	simm.s32 $0x0;
	s9 =	sand.u32 $0x1, s4;
	s31 =	smul.u32 $0xC00, s8  }
0xa: {  	s29 =	sshll.u32 s8, $0x1;
	[smem:$0x7FF] =	sst s3;
	s13 =	smul.u32 $0x30000, s8  }
0xb: {  	s12 =	sadd.s32 $0xC00, s2;
	s4 =	sor.u32 s9, s29;
	s11 =	smul.u32 $0x600, s9  }
0xc: {  	_ =	strace $0x80000047;
	s6 =	ssub.s32 $0x2, s9;
	s14 =	smul.u32 $0x18000, s9  }
0xd: {  	s5 =	sshll.u32 s4, $0x8;
	s30 =	sshrl.u32 s6, $0x1;
	s7 =	smul.u32 $0x18000, s4  }
0xe: {  	s0 =	sadd.s32 s5, s0;
	s10 =	ssub.s32 s6, s30;
	s5 =	sadd.s32 $0x100, s1  }
0xf: {  	s4 =	sadd.s32 $0x400, s0;
	s6 =	sadd.s32 s2, s7;
	s7 =	sadd.s32 s7, s12  }
0x10: {  	s0 =	sadd.s32 s11, s31;
	s2 =	sadd.s32 s13, s2;
	s10 =	smax.u32 s10, $0x1  }
0x11: {  	v2 =	vlaneseq.u32;
	s13 =	simm.s32 $0x5;
	s8 =	sadd.s32 $0x1800, s6;
	s0 =	sshll.u32 s0, $0x6  }
0x12: {  	vm0 =	vmmov $0xffff;
	v1 =	vshrl.u32 v2, $0x3;
	s9 =	sadd.s32 $0x2400, s6;
	s11 =	sadd.s32 s14, s2;
	s0 =	sadd.s32 s0, s12  }
0x13: {  	v0 =	vand.u32 $0x7, v2;
	v2 =	vor.u32 $0x8, v2;
	v1 =	vmul.u32 $0x8, v1;
	s14 =	simm.s32 $0x800;
	s2 =	simm.s32 $0x9800;
	s12 =	sadd.s32 $0x3000, s0  }
.LBB2_1:
0x14: {  	[tilespmem:s3], [sflag:$0x5] =	stream.linear.gather [hbm4b:s4+s3], $0x800, $0x38;
	[tilespmem:$0x18800] =	vst v63  }
0x15: {  	_ =	swait.ge [sflag:s13], $0x800  }
0x16: {  	[sflag:s13] =	ssyncset.done $0x0  }
0x17: {  	[sflag:s13] =	ssyncadd.s32 $0xFFFFF800  }
0x18: {  	v3 =	vld [tilespmem:$0x0];
	_ =	sdelay $0x4  }
0x19: {  	v4 =	vshll.u32 v3, $0x2  }
0x1a: {  	v3 =	vand.u32 $0x7, v3;
	v4 =	vand.u32 $0xFFFFFFE0, v4  }
0x1b: {  	v3 =	vor.u32 v3, v4  }
0x1c: {  	v4 =	vperm.xlane v3, v0;
	_ =	sdelay $0x1  }
0x1d: {  	v4 =	vadd.s32 v1, v4;
	_ =	sdelay $0x1  }
0x1e: {  	v3 =	vperm.xlane v3, v2;
	_ =	sdelay $0x1  }
0x1f: {  	v3 =	vadd.s32 v1, v3  }
0x20: {  	[tilespmem:s14], [sflag:$0x1] =	stream.indirect_vreg.gather [hbm4b:s1+s3], $0x80, v4, vm0, $0xb8;
	[tilespmem:$0x18800] =	vst v63  }
0x21: {  	s0 =	simm.s32 $0x1000  }
0x22: {  	[tilespmem:s0], [sflag:$0x1] =	stream.indirect_vreg.gather [hbm4b:s5+s3], $0x80, v4, vm0, $0xb8;
	[tilespmem:$0x18800] =	vst v63  }
0x23: {  	s31 =	simm.s32 $0x1800  }
0x24: {  	[tilespmem:s31], [sflag:$0x1] =	stream.indirect_vreg.gather [hbm4b:s1+s3], $0x80, v3, vm0, $0xb8;
	[tilespmem:$0x18800] =	vst v63  }
0x25: {  	s31 =	simm.s32 $0x2000  }
0x26: {  	[tilespmem:s31], [sflag:$0x1] =	stream.indirect_vreg.gather [hbm4b:s5+s3], $0x80, v3, vm0, $0xb8;
	[tilespmem:$0x18800] =	vst v63  }
0x27: {  	v3 =	vld [tilespmem:$0x10];
	_ =	sdelay $0x4  }
0x28: {  	v59 =	vshll.u32 v3, $0x2  }
0x29: {  	v3 =	vand.u32 $0x7, v3;
	v4 =	vand.u32 $0xFFFFFFE0, v59  }
0x2a: {  	v3 =	vor.u32 v3, v4  }
0x2b: {  	v4 =	vperm.xlane v3, v0;
	_ =	sdelay $0x1  }
0x2c: {  	v4 =	vadd.s32 v1, v4;
	_ =	sdelay $0x1  }
0x2d: {  	v3 =	vperm.xlane v3, v2;
	_ =	sdelay $0x1  }
0x2e: {  	s31 =	simm.s32 $0x2800;
	v3 =	vadd.s32 v1, v3  }
0x2f: {  	[tilespmem:s31], [sflag:$0x1] =	stream.indirect_vreg.gather [hbm4b:s1+s3], $0x80, v4, vm0, $0xb8;
	[tilespmem:$0x18800] =	vst v63  }
0x30: {  	s31 =	simm.s32 $0x3000  }
0x31: {  	[tilespmem:s31], [sflag:$0x1] =	stream.indirect_vreg.gather [hbm4b:s5+s3], $0x80, v4, vm0, $0xb8;
	[tilespmem:$0x18800] =	vst v63  }
0x32: {  	s31 =	simm.s32 $0x3800  }
0x33: {  	[tilespmem:s31], [sflag:$0x1] =	stream.indirect_vreg.gather [hbm4b:s1+s3], $0x80, v3, vm0, $0xb8;
	[tilespmem:$0x18800] =	vst v63  }
0x34: {  	s31 =	simm.s32 $0x4000  }
0x35: {  	[tilespmem:s31], [sflag:$0x1] =	stream.indirect_vreg.gather [hbm4b:s5+s3], $0x80, v3, vm0, $0xb8;
	[tilespmem:$0x18800] =	vst v63  }
0x36: {  	v3 =	vld [tilespmem:$0x20];
	_ =	sdelay $0x4  }
0x37: {  	v60 =	vshll.u32 v3, $0x2  }
0x38: {  	v3 =	vand.u32 $0x7, v3;
	v4 =	vand.u32 $0xFFFFFFE0, v60  }
0x39: {  	v3 =	vor.u32 v3, v4  }
0x3a: {  	v4 =	vperm.xlane v3, v0;
	_ =	sdelay $0x1  }
0x3b: {  	v4 =	vadd.s32 v1, v4;
	_ =	sdelay $0x1  }
0x3c: {  	v3 =	vperm.xlane v3, v2;
	_ =	sdelay $0x1  }
0x3d: {  	s31 =	simm.s32 $0x4800;
	v3 =	vadd.s32 v1, v3  }
0x3e: {  	[tilespmem:s31], [sflag:$0x1] =	stream.indirect_vreg.gather [hbm4b:s1+s3], $0x80, v4, vm0, $0xb8;
	[tilespmem:$0x18800] =	vst v63  }
0x3f: {  	s31 =	simm.s32 $0x5000  }
0x40: {  	[tilespmem:s31], [sflag:$0x1] =	stream.indirect_vreg.gather [hbm4b:s5+s3], $0x80, v4, vm0, $0xb8;
	[tilespmem:$0x18800] =	vst v63  }
0x41: {  	s31 =	simm.s32 $0x5800  }
0x42: {  	[tilespmem:s31], [sflag:$0x1] =	stream.indirect_vreg.gather [hbm4b:s1+s3], $0x80, v3, vm0, $0xb8;
	[tilespmem:$0x18800] =	vst v63  }
0x43: {  	s31 =	simm.s32 $0x6000  }
0x44: {  	[tilespmem:s31], [sflag:$0x1] =	stream.indirect_vreg.gather [hbm4b:s5+s3], $0x80, v3, vm0, $0xb8;
	[tilespmem:$0x18800] =	vst v63  }
0x45: {  	v3 =	vld [tilespmem:$0x30];
	_ =	sdelay $0x4  }
0x46: {  	v61 =	vshll.u32 v3, $0x2  }
0x47: {  	v3 =	vand.u32 $0x7, v3;
	v4 =	vand.u32 $0xFFFFFFE0, v61  }
0x48: {  	v3 =	vor.u32 v3, v4  }
0x49: {  	v4 =	vperm.xlane v3, v0;
	_ =	sdelay $0x1  }
0x4a: {  	v4 =	vadd.s32 v1, v4;
	_ =	sdelay $0x1  }
0x4b: {  	v3 =	vperm.xlane v3, v2;
	_ =	sdelay $0x1  }
0x4c: {  	v3 =	vadd.s32 v1, v3  }
0x4d: {  	[tilespmem:s26], [sflag:$0x1] =	stream.indirect_vreg.gather [hbm4b:s1+s3], $0x80, v4, vm0, $0xb8;
	[tilespmem:$0x18800] =	vst v63  }
0x4e: {  	s31 =	simm.s32 $0x7000  }
0x4f: {  	[tilespmem:s31], [sflag:$0x1] =	stream.indirect_vreg.gather [hbm4b:s5+s3], $0x80, v4, vm0, $0xb8;
	[tilespmem:$0x18800] =	vst v63  }
0x50: {  	s31 =	simm.s32 $0x7800  }
0x51: {  	[tilespmem:s31], [sflag:$0x1] =	stream.indirect_vreg.gather [hbm4b:s1+s3], $0x80, v3, vm0, $0xb8;
	[tilespmem:$0x18800] =	vst v63  }
0x52: {  	s31 =	simm.s32 $0x8000  }
0x53: {  	[tilespmem:s31], [sflag:$0x1] =	stream.indirect_vreg.gather [hbm4b:s5+s3], $0x80, v3, vm0, $0xb8;
	[tilespmem:$0x18800] =	vst v63  }
0x54: {  	v3 =	vld [tilespmem:$0x40];
	_ =	sdelay $0x4  }
0x55: {  	v62 =	vshll.u32 v3, $0x2  }
0x56: {  	v3 =	vand.u32 $0x7, v3;
	v4 =	vand.u32 $0xFFFFFFE0, v62  }
0x57: {  	v3 =	vor.u32 v3, v4  }
0x58: {  	v4 =	vperm.xlane v3, v0;
	_ =	sdelay $0x1  }
0x59: {  	v4 =	vadd.s32 v1, v4;
	_ =	sdelay $0x1  }
0x5a: {  	v3 =	vperm.xlane v3, v2;
	_ =	sdelay $0x1  }
0x5b: {  	s31 =	simm.s32 $0x8800;
	v3 =	vadd.s32 v1, v3  }
0x5c: {  	[tilespmem:s31], [sflag:$0x1] =	stream.indirect_vreg.gather [hbm4b:s1+s3], $0x80, v4, vm0, $0xb8;
	[tilespmem:$0x18800] =	vst v63  }
0x5d: {  	s31 =	simm.s32 $0x9000  }
0x5e: {  	[tilespmem:s31], [sflag:$0x1] =	stream.indirect_vreg.gather [hbm4b:s5+s3], $0x80, v4, vm0, $0xb8;
	[tilespmem:$0x18800] =	vst v63  }
0x5f: {  	_ = 	snop  }
0x60: {  	[tilespmem:s2], [sflag:$0x1] =	stream.indirect_vreg.gather [hbm4b:s1+s3], $0x80, v3, vm0, $0xb8;
	[tilespmem:$0x18800] =	vst v63  }
0x61: {  	_ = 	snop  }
0x62: {  	[tilespmem:s15], [sflag:$0x1] =	stream.indirect_vreg.gather [hbm4b:s5+s3], $0x80, v3, vm0, $0xb8;
	[tilespmem:$0x18800] =	vst v63  }
0x63: {  	v3 =	vld [tilespmem:$0x50];
	_ =	sdelay $0x4  }
0x64: {  	v63 =	vshll.u32 v3, $0x2  }
0x65: {  	v3 =	vand.u32 $0x7, v3;
	v4 =	vand.u32 $0xFFFFFFE0, v63  }
0x66: {  	v3 =	vor.u32 v3, v4  }
0x67: {  	v4 =	vperm.xlane v3, v0;
	_ =	sdelay $0x1  }
0x68: {  	v4 =	vadd.s32 v1, v4;
	_ =	sdelay $0x1  }
0x69: {  	v3 =	vperm.xlane v3, v2;
	_ =	sdelay $0x1  }
0x6a: {  	v3 =	vadd.s32 v1, v3  }
0x6b: {  	[tilespmem:s16], [sflag:$0x1] =	stream.indirect_vreg.gather [hbm4b:s1+s3], $0x80, v4, vm0, $0xb8;
	[tilespmem:$0x18800] =	vst v63  }
0x6c: {  	_ = 	snop  }
0x6d: {  	[tilespmem:s17], [sflag:$0x1] =	stream.indirect_vreg.gather [hbm4b:s5+s3], $0x80, v4, vm0, $0xb8;
	[tilespmem:$0x18800] =	vst v63  }
0x6e: {  	_ = 	snop  }
0x6f: {  	[tilespmem:s18], [sflag:$0x1] =	stream.indirect_vreg.gather [hbm4b:s1+s3], $0x80, v3, vm0, $0xb8;
	[tilespmem:$0x18800] =	vst v63  }
0x70: {  	_ = 	snop  }
0x71: {  	[tilespmem:s19], [sflag:$0x1] =	stream.indirect_vreg.gather [hbm4b:s5+s3], $0x80, v3, vm0, $0xb8;
	[tilespmem:$0x18800] =	vst v63  }
0x72: {  	_ =	swait.ge [sflag:s20], $0xC000  }
0x73: {  	[sflag:s20] =	ssyncset.done $0x0  }
0x74: {  	[sflag:s20] =	ssyncadd.s32 $0xFFFF4000  }
0x75: {  	[hbm4b:s6+s3] =	stream.linear.scatter [tilespmem:s14], [sflag:$0x1], $0x6000, $0x38;
	[tilespmem:$0x18800] =	vst v63  }
0x76: {  	_ = 	snop  }
0x77: {  	[hbm4b:s7+s3] =	stream.linear.scatter [tilespmem:s26], [sflag:$0x2], $0x6000, $0x38;
	[tilespmem:$0x18800] =	vst v63  }
0x78: {  	_ = 	snop  }
0x79: {  	[hbm4b:s8+s3] =	stream.linear.scatter [tilespmem:s21], [sflag:$0x3], $0x6000, $0x38;
	[tilespmem:$0x18800] =	vst v63  }
0x7a: {  	_ = 	snop  }
0x7b: {  	[hbm4b:s9+s3] =	stream.linear.scatter [tilespmem:s22], [sflag:$0x4], $0x6000, $0x38;
	[tilespmem:$0x18800] =	vst v63  }
0x7c: {  	_ =	swait.ge [sflag:s20], $0x6000  }
0x7d: {  	[sflag:s20] =	ssyncset.done $0x0  }
0x7e: {  	[sflag:s20] =	ssyncadd.s32 $0xFFFFA000  }
0x7f: {  	_ =	swait.ge [sflag:s23], $0x6000  }
0x80: {  	s30 =	sadd.s32 $0x0, s11;
	[sflag:s23] =	ssyncset.done $0x0  }
0x81: {  	s29 =	sadd.s32 $0x3000, s30;
	[sflag:s23] =	ssyncadd.s32 $0xFFFFA000  }
0x82: {  	[hbm4b:s29+s3] =	stream.linear.scatter [tilespmem:s14], [sflag:$0x1], $0x6000, $0x38;
	[tilespmem:$0x18800] =	vst v63  }
0x83: {  	s29 =	sadd.s32 $0x0, s12  }
0x84: {  	[hbm4b:s29+s3] =	stream.linear.scatter [tilespmem:s26], [sflag:$0x2], $0x6000, $0x38;
	[tilespmem:$0x18800] =	vst v63  }
0x85: {  	_ =	swait.ge [sflag:s24], $0x6000  }
0x86: {  	[sflag:s24] =	ssyncset.done $0x0  }
0x87: {  	[sflag:s24] =	ssyncadd.s32 $0xFFFFA000  }
0x88: {  	_ =	swait.ge [sflag:s25], $0x6000  }
0x89: {  	[sflag:s25] =	ssyncset.done $0x0  }
0x8a: {  	s29 =	sadd.s32 $0x4800, s30;
	[sflag:s25] =	ssyncadd.s32 $0xFFFFA000  }
0x8b: {  	[hbm4b:s29+s3] =	stream.linear.scatter [tilespmem:s21], [sflag:$0x3], $0x6000, $0x38;
	[tilespmem:$0x18800] =	vst v63  }
0x8c: {  	s30 =	sadd.s32 $0x5400, s30;
	s29 =	simm.s32 $0x3000  }
.LBB2_2:
0x8d: {  	[hbm4b:s30+s3] =	stream.linear.scatter [tilespmem:s22], [sflag:$0x4], $0x6000, $0x38;
	[tilespmem:$0x18800] =	vst v63  }
0x8e: {  	s30 =	smov.u32 s29  }
0x8f: {  	p0 =	sne.s32 s29, $0x12000;
	s29 =	sadd.s32 $0x3000, s29;
	_ =	swait.ge [sflag:s20], $0x6000  }
0x90: {  	[sflag:s20] =	ssyncset.done $0x0  }
0x91: {  	[sflag:s20] =	ssyncadd.s32 $0xFFFFA000  }
0x92: {  	_ =	swait.ge [sflag:s23], $0x6000  }
0x93: {  	s31 =	sadd.s32 s30, s11;
	[sflag:s23] =	ssyncset.done $0x0  }
0x94: {  	s0 =	sadd.s32 $0x3000, s31;
	[sflag:s23] =	ssyncadd.s32 $0xFFFFA000  }
0x95: {  	[hbm4b:s0+s3] =	stream.linear.scatter [tilespmem:s14], [sflag:$0x1], $0x6000, $0x38;
	[tilespmem:$0x18800] =	vst v63  }
0x96: {  	s0 =	sadd.s32 s30, s12  }
0x97: {  	[hbm4b:s0+s3] =	stream.linear.scatter [tilespmem:s26], [sflag:$0x2], $0x6000, $0x38;
	[tilespmem:$0x18800] =	vst v63  }
0x98: {  	_ =	swait.ge [sflag:s24], $0x6000  }
0x99: {  	[sflag:s24] =	ssyncset.done $0x0  }
0x9a: {  	[sflag:s24] =	ssyncadd.s32 $0xFFFFA000  }
.Ltmp0:
0x9b: {  	_ =	swait.ge [sflag:s25], $0x6000;
	(pc) =	sbr.rel @p0 .LBB2_2-.Ltmp0, $4  }
0x9c: {  	[sflag:s25] =	ssyncset.done $0x0  }
0x9d: {  	s0 =	sadd.s32 $0x4800, s31;
	[sflag:s25] =	ssyncadd.s32 $0xFFFFA000  }
0x9e: {  	[hbm4b:s0+s3] =	stream.linear.scatter [tilespmem:s21], [sflag:$0x3], $0x6000, $0x38;
	[tilespmem:$0x18800] =	vst v63  }
0x9f: {  	s30 =	sadd.s32 $0x5400, s31  }
0xa0: {  	[hbm4b:s30+s3] =	stream.linear.scatter [tilespmem:s22], [sflag:$0x4], $0x6000, $0x38;
	[tilespmem:$0x18800] =	vst v63  }
0xa1: {  	_ =	swait.ge [sflag:s20], $0x6000  }
0xa2: {  	[sflag:s20] =	ssyncset.done $0x0  }
0xa3: {  	[sflag:s20] =	ssyncadd.s32 $0xFFFFA000  }
0xa4: {  	_ =	swait.ge [sflag:s23], $0x6000  }
0xa5: {  	[sflag:s23] =	ssyncset.done $0x0  }
0xa6: {  	s28 =	sadd.s32 $0x1, s28;
	[sflag:s23] =	ssyncadd.s32 $0xFFFFA000  }
0xa7: {  	p0 =	sne.s32 s28, s10;
	_ =	swait.ge [sflag:s24], $0x6000  }
.Ltmp1:
0xa8: {  	[sflag:s24] =	ssyncset.done $0x0;
	(pc) =	sbr.rel @p0 .LBB2_1-.Ltmp1, $4  }
0xa9: {  	[sflag:s24] =	ssyncadd.s32 $0xFFFFA000  }
0xaa: {  	_ =	swait.ge [sflag:s25], $0x6000  }
0xab: {  	[sflag:s25] =	ssyncset.done $0x0  }
0xac: {  	[sflag:s25] =	ssyncadd.s32 $0xFFFFA000  }
0xad: {  	_ =	sfence.sel $0x180000  }
0xae: {  	[bflag:$0x0] =	sbarrier.arrive $0xFFFF  }
0xaf: {  	_ =	strace $0x90000047  }
0xb0: {  	s0 =	stileid.u32;
	[bflag:$0x2] =	sbarrier.arrive $0xFFFF  }
0xb1: {  	p0 =	sne.s32 s0, $0x0;
	s0 =	rddreg [dreg:$0x3]  }
0xb2: {  	s0 =	sadd.s32 @!p0 $0x100000, s0  }
0xb3: {  	[sflag:s0] =	ssyncadd.tile.s32 @!p0 $0x1;
	_ =	shalt  }
.Lfunc_end2:
_tile_overlayer_lowered:
.L_overlay_start_2:
0xb4: {  	(tag) =	ssettag $0x2  }
0xb5: {  	s0 =	rddreg [dreg:$0x0];
	s2 =	stileid.u32  }
0xb6: {  	s1 =	rddreg [dreg:$0x1];
	p0 =	sne.s32 s2, $0x0  }
0xb7: {  	s3 =	rddreg [dreg:$0x2];
	[bflag:$0x3] =	sbarrier.arrive $0xFFFF;
	s2 =	simm.s32 @!p0 $0x1C05  }
0xb8: {  	[timem:s3], [sflag:s2] =	dma.local @!p0 [hbm:s0], s1  }
0xb9: {  	s0 =	simm.s32 @!p0 $0x5  }
0xba: {  	_ =	swait.ge @!p0 [sflag:s0], s1  }
0xbb: {  	s1 =	ssub.s32 @!p0 $0x0, s1;
	[sflag:s0] =	ssyncset.done @!p0 $0x0  }
0xbc: {  	[sflag:s0] =	ssyncadd.s32 @!p0 s1  }
0xbd: {  	[bflag:$0x3] =	sbarrier.arrive $0xFFFF  }
0xbe: {  	_ =	shalt  }

</sc_bundles>
